<compile_context>
chip_gen: v7x
topology: tpu7x:2x2x1
jax: 0.10.2.dev20260603
libtpu: 0.0.44.dev20260713+nightly
codegen_flags: <defaults>
</compile_context>

<pallas_src>
import functools

import jax
import jax.numpy as jnp
from jax import lax
from jax.experimental import pallas as pl
from jax.experimental.pallas import tpu as pltpu
from jax.experimental.pallas import tpu_sc as plsc


_N = 512
_K = 1024
_D = 256
_M = 4


def _tree_reduce_cols(sqt):
    halves = []
    for t in (0, 1):
        base = 128 * t
        acc = sqt[base:base + 8, :]
        for v in range(1, 16):
            acc = acc + sqt[base + 8 * v:base + 8 * v + 8, :]
        p = acc
        r = ((p[0:1, :] + p[4:5, :]) + (p[2:3, :] + p[6:7, :])) + (
            (p[1:2, :] + p[5:6, :]) + (p[3:4, :] + p[7:8, :]))
        halves.append(r)
    return halves[0] + halves[1]


def _topm_kernel(z_ref, w_ref, idx_ref):
    z = z_ref[...]
    w = w_ref[...]
    wn = jnp.sum(w * w, axis=1, keepdims=True)
    wn_row = jnp.swapaxes(wn, 0, 1)
    z_hi = z.astype(jnp.bfloat16)
    z_mid = (z - z_hi.astype(jnp.float32)).astype(jnp.bfloat16)
    s_hi = w.astype(jnp.bfloat16)
    s_mid = (w - s_hi.astype(jnp.float32)).astype(jnp.bfloat16)
    dns = (((1,), (1,)), ((), ()))
    scores = (jax.lax.dot_general(z_hi, s_hi, dns,
                                  preferred_element_type=jnp.float32)
              + (jax.lax.dot_general(z_hi, s_mid, dns,
                                     preferred_element_type=jnp.float32)
                 + jax.lax.dot_general(z_mid, s_hi, dns,
                                       preferred_element_type=jnp.float32)))
    da = wn_row - 2.0 * scores

    iota_k = jax.lax.broadcasted_iota(jnp.int32, (_N, _K), 1)
    for j in range(_M):
        dmin = jnp.min(da, axis=1, keepdims=True)
        idx_j = jnp.min(jnp.where(da == dmin, iota_k, _K),
                        axis=1, keepdims=True)
        idx_ref[pl.ds(j * _N, _N), :] = idx_j
        if j < _M - 1:
            da = jnp.where(iota_k == idx_j, jnp.float32(3e38), da)


def _recheck_kernel(z_ref, g_ref, idx_ref, oidx_ref, zq_ref, ma_ref):
    z = z_ref[...]
    gt = jnp.swapaxes(g_ref[...], 0, 1)
    zt = jnp.swapaxes(z, 0, 1)
    zt_rep = jnp.concatenate([zt] * _M, axis=1)
    diff = zt_rep - gt
    dx = _tree_reduce_cols(diff * diff)

    best_d = dx[:, 0:_N]
    best_i = jnp.swapaxes(idx_ref[0:_N, :], 0, 1)
    best_g = gt[:, 0:_N]
    for j in range(1, _M):
        dj = dx[:, j * _N:(j + 1) * _N]
        ij = jnp.swapaxes(idx_ref[j * _N:(j + 1) * _N, :], 0, 1)
        better = (dj < best_d) | ((dj == best_d) & (ij < best_i))
        best_d = jnp.where(better, dj, best_d)
        best_i = jnp.where(better, ij, best_i)
        best_g = jnp.where(better, gt[:, j * _N:(j + 1) * _N], best_g)

    oidx_ref[...] = jnp.swapaxes(best_i, 0, 1)
    zq = jnp.swapaxes(best_g, 0, 1)
    zq_ref[...] = zq
    ma_ref[...] = z + (zq - z)


def _make_sc_gather():
    info = plsc.get_sparse_core_info()
    nw = info.num_cores * info.num_subcores
    b = _M * _N
    b_per_w = b // nw
    mesh = plsc.VectorSubcoreMesh(core_axis_name="c", subcore_axis_name="s")

    @functools.partial(
        pl.kernel, mesh=mesh,
        out_type=jax.ShapeDtypeStruct((b, _D), jnp.float32),
        scratch_types=[
            pltpu.VMEM((b_per_w,), jnp.int32),
            pltpu.VMEM((b_per_w, _D), jnp.float32),
            pltpu.SemaphoreType.DMA,
        ],
    )
    def sc_gather(table_hbm, idx_hbm, out_hbm, idx_v, rows_v, sem):
        wid = lax.axis_index("s") * info.num_cores + lax.axis_index("c")
        base = wid * b_per_w
        pltpu.sync_copy(idx_hbm.at[pl.ds(base, b_per_w)], idx_v)
        pltpu.async_copy(table_hbm.at[idx_v], rows_v, sem).wait()
        pltpu.sync_copy(rows_v, out_hbm.at[pl.ds(base, b_per_w)])

    return sc_gather


_sc_gather_cache = []


def _get_sc_gather():
    if not _sc_gather_cache:
        _sc_gather_cache.append(_make_sc_gather())
    return _sc_gather_cache[0]


def kernel(x, weight):
    z = jnp.transpose(x, (0, 2, 3, 1))
    zf = z.reshape(_N, _D)
    idx_cat = pl.pallas_call(
        _topm_kernel,
        out_shape=jax.ShapeDtypeStruct((_M * _N, 1), jnp.int32),
    )(zf, weight)
    g = _get_sc_gather()(weight, idx_cat.reshape(_M * _N))
    idx2, zqf, maf = pl.pallas_call(
        _recheck_kernel,
        out_shape=(
            jax.ShapeDtypeStruct((_N, 1), jnp.int32),
            jax.ShapeDtypeStruct((_N, _D), jnp.float32),
            jax.ShapeDtypeStruct((_N, _D), jnp.float32),
        ),
    )(zf, g, idx_cat)
    indices = idx2.reshape(_N)
    z_q = zqf.reshape(z.shape)
    z_q_ma = jnp.transpose(maf.reshape(z.shape), (0, 3, 1, 2))
    return (z_q_ma, z_q, z, indices)

# --- scband reference (transcript-rebuilt; emitter-appended) ---
"""Pipeline reference for scband-codebook-4733053960562 (READ-ONLY COPY).

The authoritative reference and input builder live on the scoring server;
editing this copy changes nothing except your own understanding.
"""

import jax, jax.numpy as jnp
import numpy as np


def setup_inputs(seed: int = 0) -> dict:
    key = jax.random.key(seed)
    k_x, k_w = jax.random.split(key)
    num_vectors = 1024
    embed_size = 256
    x = jax.random.normal(k_x, (2, 256, 16, 16), dtype=jnp.float32)
    # nn.Embedding weight initialized uniform(-1/num_vectors, 1/num_vectors)
    weight = jax.random.uniform(
        k_w, (num_vectors, embed_size), dtype=jnp.float32,
        minval=-1.0 / num_vectors, maxval=1.0 / num_vectors)
    return {"x": x, "weight": weight}


def reference(x, weight):
    num_vectors, embed_size = weight.shape
    # z = x.permute(0, 2, 3, 1)
    z = jnp.transpose(x, (0, 2, 3, 1))
    # z_reshaped = z.view(-1, 1, D).tile((1, K, 1)); broadcast subtraction is the same math
    z_reshaped = z.reshape(-1, 1, embed_size)
    d = (z_reshaped - weight[None, :, :]) ** 2
    d = jnp.sum(d, axis=-1)
    indices = jnp.argmin(d, axis=-1)
    # embedding lookup -> gather rows of the codebook
    z_q = jnp.take(weight, indices, axis=0).reshape(z.shape)
    # straight-through estimator
    z_q_ma = z + jax.lax.stop_gradient(z_q - z)
    z_q_ma = jnp.transpose(z_q_ma, (0, 3, 1, 2))
    return (z_q_ma, z_q, z, indices)

if __name__ == "__main__":
    import jax
    _d = setup_inputs()
    print(jax.jit(kernel)(*tuple(_d.values())))

</pallas_src>

<mosaic_0001>
#map = affine_map<(d0, d1) -> (0, 0)>
#map1 = affine_map<(d0, d1) -> (0)>
module attributes {stable_mosaic.version = 14 : i64} {
  func.func @sc_gather(%arg0: i32, %arg1: i32, %arg2: memref<1024x256xf32, #tpu.memory_space<hbm>>, %arg3: memref<2048xi32, #tpu.memory_space<hbm>>, %arg4: memref<2048x256xf32, #tpu.memory_space<hbm>>, %arg5: memref<64xi32, #tpu.memory_space<vmem>>, %arg6: memref<64x256xf32, #tpu.memory_space<vmem>>, %arg7: memref<!tpu.dma_semaphore, #tpu.memory_space<semaphore_mem>>) attributes {dimension_semantics = [#tpu.dimension_semantics<core_parallel>, #tpu.dimension_semantics<subcore_parallel>], iteration_bounds = array<i64: 2, 16>, scalar_prefetch = 0 : i64, scratch_operands = 3 : i64, tpu.core_type = #tpu.core_type<sc_vector_subcore>, window_params = [{transform_indices = #map}, {transform_indices = #map1}, {transform_indices = #map}]} {
    %mul3A = arith.constant 2 : i32
    %mul3A_0 = arith.muli %arg1, %mul3A : i32
    %add3A = arith.addi %mul3A_0, %arg0 : i32
    %mul3A_1 = arith.constant 64 : i32
    %mul3A_2 = arith.muli %add3A, %mul3A_1 : i32
    "tpu.region"() ({
      %run_scoped3A = tpu.sem_alloc : memref<!tpu.dma_semaphore, #tpu.memory_space<semaphore_mem>>
      %dma_start3A_7 = tpu.memref_slice %arg3[%mul3A_2] : memref<2048xi32, #tpu.memory_space<hbm>> -> memref<64xi32, #tpu.memory_space<hbm>>
      %dma_start3A_8 = tpu.memref_slice %arg3[%mul3A_2] : memref<2048xi32, #tpu.memory_space<hbm>> -> memref<64xi32, #tpu.memory_space<hbm>>
      tpu.enqueue_dma source(%dma_start3A_8 : memref<64xi32, #tpu.memory_space<hbm>>) target(%arg5 : memref<64xi32, #tpu.memory_space<vmem>>) target_semaphore(%run_scoped3A : memref<!tpu.dma_semaphore, #tpu.memory_space<semaphore_mem>>)
      %dma_wait3A_9 = tpu.memref_slice %arg3[%mul3A_2] : memref<2048xi32, #tpu.memory_space<hbm>> -> memref<64xi32, #tpu.memory_space<hbm>>
      %dma_wait3A_10 = tpu.memref_slice %arg3[%mul3A_2] : memref<2048xi32, #tpu.memory_space<hbm>> -> memref<64xi32, #tpu.memory_space<hbm>>
      tpu.wait_dma2 semaphore(%run_scoped3A : memref<!tpu.dma_semaphore, #tpu.memory_space<semaphore_mem>>) src(%dma_wait3A_10 : memref<64xi32, #tpu.memory_space<hbm>>) dst(%arg5 : memref<64xi32, #tpu.memory_space<vmem>>)
      tpu.yield
    }) : () -> ()
    %dma_start3A = arith.constant 0 : i32
    %dma_start3A_3 = arith.constant 0 : i32
    %dma_start3A_4 = tpu.memref_slice %arg2[%dma_start3A, %dma_start3A_3] : memref<1024x256xf32, #tpu.memory_space<hbm>> -> memref<1024x256xf32, #tpu.memory_space<hbm>>
    tpu.enqueue_indirect_dma source(%dma_start3A_4 : memref<1024x256xf32, #tpu.memory_space<hbm>>) target(%arg6 : memref<64x256xf32, #tpu.memory_space<vmem>>) offsets(%arg5 : memref<64xi32, #tpu.memory_space<vmem>>) semaphore(%arg7 : memref<!tpu.dma_semaphore, #tpu.memory_space<semaphore_mem>>)
    %dma_wait3A = arith.constant 0 : i32
    %dma_wait3A_5 = arith.constant 0 : i32
    %dma_wait3A_6 = tpu.memref_slice %arg2[%dma_wait3A, %dma_wait3A_5] : memref<1024x256xf32, #tpu.memory_space<hbm>> -> memref<1024x256xf32, #tpu.memory_space<hbm>>
    tpu.wait_indirect_dma semaphore(%arg7 : memref<!tpu.dma_semaphore, #tpu.memory_space<semaphore_mem>>) src(%dma_wait3A_6 : memref<1024x256xf32, #tpu.memory_space<hbm>>) dst(%arg6 : memref<64x256xf32, #tpu.memory_space<vmem>>)
    "tpu.region"() ({
      %run_scoped3A = tpu.sem_alloc : memref<!tpu.dma_semaphore, #tpu.memory_space<semaphore_mem>>
      %dma_start3A_7 = arith.constant 0 : i32
      %dma_start3A_8 = tpu.memref_slice %arg4[%mul3A_2, %dma_start3A_7] : memref<2048x256xf32, #tpu.memory_space<hbm>> -> memref<64x256xf32, #tpu.memory_space<hbm>>
      %dma_start3A_9 = arith.constant 0 : i32
      %dma_start3A_10 = tpu.memref_slice %arg4[%mul3A_2, %dma_start3A_9] : memref<2048x256xf32, #tpu.memory_space<hbm>> -> memref<64x256xf32, #tpu.memory_space<hbm>>
      tpu.enqueue_dma source(%arg6 : memref<64x256xf32, #tpu.memory_space<vmem>>) target(%dma_start3A_10 : memref<64x256xf32, #tpu.memory_space<hbm>>) target_semaphore(%run_scoped3A : memref<!tpu.dma_semaphore, #tpu.memory_space<semaphore_mem>>)
      %dma_wait3A_11 = arith.constant 0 : i32
      %dma_wait3A_12 = tpu.memref_slice %arg4[%mul3A_2, %dma_wait3A_11] : memref<2048x256xf32, #tpu.memory_space<hbm>> -> memref<64x256xf32, #tpu.memory_space<hbm>>
      %dma_wait3A_13 = arith.constant 0 : i32
      %dma_wait3A_14 = tpu.memref_slice %arg4[%mul3A_2, %dma_wait3A_13] : memref<2048x256xf32, #tpu.memory_space<hbm>> -> memref<64x256xf32, #tpu.memory_space<hbm>>
      tpu.wait_dma2 semaphore(%run_scoped3A : memref<!tpu.dma_semaphore, #tpu.memory_space<semaphore_mem>>) src(%arg6 : memref<64x256xf32, #tpu.memory_space<vmem>>) dst(%dma_wait3A_14 : memref<64x256xf32, #tpu.memory_space<hbm>>)
      tpu.yield
    }) : () -> ()
    return
  }
}

module attributes {stable_mosaic.version = 14 : i64} {
  func.func @_topm_kernel(%arg0: memref<512x256xf32, #tpu.memory_space<vmem>>, %arg1: memref<1024x256xf32, #tpu.memory_space<vmem>>, %arg2: memref<2048x1xi32, #tpu.memory_space<vmem>>) attributes {dimension_semantics = [], scalar_prefetch = 0 : i64, scratch_operands = 0 : i64, tpu.core_type = #tpu.core_type<tc>} {
    %get3A = arith.constant 0 : index
    %get3A_0 = arith.constant 0 : index
    %get3A_1 = vector.load %arg0[%get3A, %get3A_0] : memref<512x256xf32, #tpu.memory_space<vmem>>, vector<512x256xf32>
    %get3A_2 = arith.constant 0 : index
    %get3A_3 = arith.constant 0 : index
    %get3A_4 = vector.load %arg1[%get3A_2, %get3A_3] : memref<1024x256xf32, #tpu.memory_space<vmem>>, vector<1024x256xf32>
    %mul3A = arith.mulf %get3A_4, %get3A_4 : vector<1024x256xf32>
    %reduce_sum3A = arith.constant dense<0.000000e+00> : vector<1024xf32>
    %reduce_sum3A_5 = vector.multi_reduction <add>, %mul3A, %reduce_sum3A [1] : vector<1024x256xf32> to vector<1024xf32>
    %broadcast_in_dim3A = vector.shape_cast %reduce_sum3A_5 : vector<1024xf32> to vector<1024x1xf32>
    %transpose3A = tpu.transpose %broadcast_in_dim3A, [1, 0] : vector<1024x1xf32> -> vector<1x1024xf32>
    %convert_element_type3A = arith.truncf %get3A_1 : vector<512x256xf32> to vector<512x256xbf16>
    %convert_element_type3A_6 = arith.extf %convert_element_type3A : vector<512x256xbf16> to vector<512x256xf32>
    %sub3A = arith.subf %get3A_1, %convert_element_type3A_6 : vector<512x256xf32>
    %convert_element_type3A_7 = arith.truncf %sub3A : vector<512x256xf32> to vector<512x256xbf16>
    %convert_element_type3A_8 = arith.truncf %get3A_4 : vector<1024x256xf32> to vector<1024x256xbf16>
    %convert_element_type3A_9 = arith.extf %convert_element_type3A_8 : vector<1024x256xbf16> to vector<1024x256xf32>
    %sub3A_10 = arith.subf %get3A_4, %convert_element_type3A_9 : vector<1024x256xf32>
    %convert_element_type3A_11 = arith.truncf %sub3A_10 : vector<1024x256xf32> to vector<1024x256xbf16>
    %dot_general3A = arith.constant dense<0.000000e+00> : vector<512x1024xf32>
    %dot_general3A_12 = tpu.matmul %convert_element_type3A, %convert_element_type3A_8, %dot_general3A {dimension_numbers = #tpu.dot_dimension_numbers<[1], [1], [0], [0], [0, 0, 1, 0], [], []>, transpose_lhs_hint = false} : vector<512x256xbf16>, vector<1024x256xbf16>, vector<512x1024xf32> -> vector<512x1024xf32>
    %dot_general3A_13 = arith.constant dense<0.000000e+00> : vector<512x1024xf32>
    %dot_general3A_14 = tpu.matmul %convert_element_type3A, %convert_element_type3A_11, %dot_general3A_13 {dimension_numbers = #tpu.dot_dimension_numbers<[1], [1], [0], [0], [0, 0, 1, 0], [], []>, transpose_lhs_hint = false} : vector<512x256xbf16>, vector<1024x256xbf16>, vector<512x1024xf32> -> vector<512x1024xf32>
    %dot_general3A_15 = arith.constant dense<0.000000e+00> : vector<512x1024xf32>
    %dot_general3A_16 = tpu.matmul %convert_element_type3A_7, %convert_element_type3A_8, %dot_general3A_15 {dimension_numbers = #tpu.dot_dimension_numbers<[1], [1], [0], [0], [0, 0, 1, 0], [], []>, transpose_lhs_hint = false} : vector<512x256xbf16>, vector<1024x256xbf16>, vector<512x1024xf32> -> vector<512x1024xf32>
    %add3A = arith.addf %dot_general3A_14, %dot_general3A_16 : vector<512x1024xf32>
    %add3A_17 = arith.addf %dot_general3A_12, %add3A : vector<512x1024xf32>
    %mul3A_18 = arith.constant 2.000000e+00 : f32
    %mul3A_19 = vector.broadcast %mul3A_18 : f32 to vector<512x1024xf32>
    %mul3A_20 = arith.mulf %mul3A_19, %add3A_17 : vector<512x1024xf32>
    %sub3A_21 = vector.broadcast %transpose3A : vector<1x1024xf32> to vector<512x1024xf32>
    %sub3A_22 = arith.subf %sub3A_21, %mul3A_20 : vector<512x1024xf32>
    %iota3A = tpu.iota {dimensions = array<i32: 1>} : vector<512x1024xi32>
    %reduce_min3A = arith.constant dense<0x7F800000> : vector<512xf32>
    %reduce_min3A_23 = vector.multi_reduction <minimumf>, %sub3A_22, %reduce_min3A [1] : vector<512x1024xf32> to vector<512xf32>
    %broadcast_in_dim3A_24 = vector.shape_cast %reduce_min3A_23 : vector<512xf32> to vector<512x1xf32>
    %eq3A = vector.broadcast %broadcast_in_dim3A_24 : vector<512x1xf32> to vector<512x1024xf32>
    %eq3A_25 = arith.cmpf oeq, %sub3A_22, %eq3A : vector<512x1024xf32>
    %jit3A = arith.constant 1024 : i32
    %broadcast_in_dim3A_26 = vector.broadcast %jit3A : i32 to vector<512x1024xi32>
    %select_n3A = arith.select %eq3A_25, %iota3A, %broadcast_in_dim3A_26 : vector<512x1024xi1>, vector<512x1024xi32>
    %reduce_min3A_27 = arith.constant dense<2147483647> : vector<512xi32>
    %reduce_min3A_28 = vector.multi_reduction <minsi>, %select_n3A, %reduce_min3A_27 [1] : vector<512x1024xi32> to vector<512xi32>
    %broadcast_in_dim3A_29 = vector.shape_cast %reduce_min3A_28 : vector<512xi32> to vector<512x1xi32>
    %swap3A = arith.constant 0 : index
    %swap3A_30 = arith.constant 0 : index
    %swap3A_31 = vector.load %arg2[%swap3A, %swap3A_30] : memref<2048x1xi32, #tpu.memory_space<vmem>>, vector<512x1xi32>
    tpu.vector_store %arg2[%swap3A, %swap3A_30], %broadcast_in_dim3A_29 {strides = array<i32>} : memref<2048x1xi32, #tpu.memory_space<vmem>>, vector<512x1xi32>,
    %eq3A_32 = vector.broadcast %broadcast_in_dim3A_29 : vector<512x1xi32> to vector<512x1024xi32>
    %eq3A_33 = arith.cmpi eq, %iota3A, %eq3A_32 : vector<512x1024xi32>
    %jit3A_34 = arith.constant 3.000000e+38 : f32
    %broadcast_in_dim3A_35 = vector.broadcast %jit3A_34 : f32 to vector<512x1024xf32>
    %select_n3A_36 = arith.select %eq3A_33, %broadcast_in_dim3A_35, %sub3A_22 : vector<512x1024xi1>, vector<512x1024xf32>
    %reduce_min3A_37 = arith.constant dense<0x7F800000> : vector<512xf32>
    %reduce_min3A_38 = vector.multi_reduction <minimumf>, %select_n3A_36, %reduce_min3A_37 [1] : vector<512x1024xf32> to vector<512xf32>
    %broadcast_in_dim3A_39 = vector.shape_cast %reduce_min3A_38 : vector<512xf32> to vector<512x1xf32>
    %eq3A_40 = vector.broadcast %broadcast_in_dim3A_39 : vector<512x1xf32> to vector<512x1024xf32>
    %eq3A_41 = arith.cmpf oeq, %select_n3A_36, %eq3A_40 : vector<512x1024xf32>
    %jit3A_42 = arith.constant 1024 : i32
    %broadcast_in_dim3A_43 = vector.broadcast %jit3A_42 : i32 to vector<512x1024xi32>
    %select_n3A_44 = arith.select %eq3A_41, %iota3A, %broadcast_in_dim3A_43 : vector<512x1024xi1>, vector<512x1024xi32>
    %reduce_min3A_45 = arith.constant dense<2147483647> : vector<512xi32>
    %reduce_min3A_46 = vector.multi_reduction <minsi>, %select_n3A_44, %reduce_min3A_45 [1] : vector<512x1024xi32> to vector<512xi32>
    %broadcast_in_dim3A_47 = vector.shape_cast %reduce_min3A_46 : vector<512xi32> to vector<512x1xi32>
    %swap3A_48 = arith.constant 512 : index
    %swap3A_49 = arith.constant 0 : index
    %swap3A_50 = vector.load %arg2[%swap3A_48, %swap3A_49] : memref<2048x1xi32, #tpu.memory_space<vmem>>, vector<512x1xi32>
    tpu.vector_store %arg2[%swap3A_48, %swap3A_49], %broadcast_in_dim3A_47 {strides = array<i32>} : memref<2048x1xi32, #tpu.memory_space<vmem>>, vector<512x1xi32>,
    %eq3A_51 = vector.broadcast %broadcast_in_dim3A_47 : vector<512x1xi32> to vector<512x1024xi32>
    %eq3A_52 = arith.cmpi eq, %iota3A, %eq3A_51 : vector<512x1024xi32>
    %jit3A_53 = arith.constant 3.000000e+38 : f32
    %broadcast_in_dim3A_54 = vector.broadcast %jit3A_53 : f32 to vector<512x1024xf32>
    %select_n3A_55 = arith.select %eq3A_52, %broadcast_in_dim3A_54, %select_n3A_36 : vector<512x1024xi1>, vector<512x1024xf32>
    %reduce_min3A_56 = arith.constant dense<0x7F800000> : vector<512xf32>
    %reduce_min3A_57 = vector.multi_reduction <minimumf>, %select_n3A_55, %reduce_min3A_56 [1] : vector<512x1024xf32> to vector<512xf32>
    %broadcast_in_dim3A_58 = vector.shape_cast %reduce_min3A_57 : vector<512xf32> to vector<512x1xf32>
    %eq3A_59 = vector.broadcast %broadcast_in_dim3A_58 : vector<512x1xf32> to vector<512x1024xf32>
    %eq3A_60 = arith.cmpf oeq, %select_n3A_55, %eq3A_59 : vector<512x1024xf32>
    %jit3A_61 = arith.constant 1024 : i32
    %broadcast_in_dim3A_62 = vector.broadcast %jit3A_61 : i32 to vector<512x1024xi32>
    %select_n3A_63 = arith.select %eq3A_60, %iota3A, %broadcast_in_dim3A_62 : vector<512x1024xi1>, vector<512x1024xi32>
    %reduce_min3A_64 = arith.constant dense<2147483647> : vector<512xi32>
    %reduce_min3A_65 = vector.multi_reduction <minsi>, %select_n3A_63, %reduce_min3A_64 [1] : vector<512x1024xi32> to vector<512xi32>
    %broadcast_in_dim3A_66 = vector.shape_cast %reduce_min3A_65 : vector<512xi32> to vector<512x1xi32>
    %swap3A_67 = arith.constant 1024 : index
    %swap3A_68 = arith.constant 0 : index
    %swap3A_69 = vector.load %arg2[%swap3A_67, %swap3A_68] : memref<2048x1xi32, #tpu.memory_space<vmem>>, vector<512x1xi32>
    tpu.vector_store %arg2[%swap3A_67, %swap3A_68], %broadcast_in_dim3A_66 {strides = array<i32>} : memref<2048x1xi32, #tpu.memory_space<vmem>>, vector<512x1xi32>,
    %eq3A_70 = vector.broadcast %broadcast_in_dim3A_66 : vector<512x1xi32> to vector<512x1024xi32>
    %eq3A_71 = arith.cmpi eq, %iota3A, %eq3A_70 : vector<512x1024xi32>
    %jit3A_72 = arith.constant 3.000000e+38 : f32
    %broadcast_in_dim3A_73 = vector.broadcast %jit3A_72 : f32 to vector<512x1024xf32>
    %select_n3A_74 = arith.select %eq3A_71, %broadcast_in_dim3A_73, %select_n3A_55 : vector<512x1024xi1>, vector<512x1024xf32>
    %reduce_min3A_75 = arith.constant dense<0x7F800000> : vector<512xf32>
    %reduce_min3A_76 = vector.multi_reduction <minimumf>, %select_n3A_74, %reduce_min3A_75 [1] : vector<512x1024xf32> to vector<512xf32>
    %broadcast_in_dim3A_77 = vector.shape_cast %reduce_min3A_76 : vector<512xf32> to vector<512x1xf32>
    %eq3A_78 = vector.broadcast %broadcast_in_dim3A_77 : vector<512x1xf32> to vector<512x1024xf32>
    %eq3A_79 = arith.cmpf oeq, %select_n3A_74, %eq3A_78 : vector<512x1024xf32>
    %jit3A_80 = arith.constant 1024 : i32
    %broadcast_in_dim3A_81 = vector.broadcast %jit3A_80 : i32 to vector<512x1024xi32>
    %select_n3A_82 = arith.select %eq3A_79, %iota3A, %broadcast_in_dim3A_81 : vector<512x1024xi1>, vector<512x1024xi32>
    %reduce_min3A_83 = arith.constant dense<2147483647> : vector<512xi32>
    %reduce_min3A_84 = vector.multi_reduction <minsi>, %select_n3A_82, %reduce_min3A_83 [1] : vector<512x1024xi32> to vector<512xi32>
    %broadcast_in_dim3A_85 = vector.shape_cast %reduce_min3A_84 : vector<512xi32> to vector<512x1xi32>
    %swap3A_86 = arith.constant 1536 : index
    %swap3A_87 = arith.constant 0 : index
    %swap3A_88 = vector.load %arg2[%swap3A_86, %swap3A_87] : memref<2048x1xi32, #tpu.memory_space<vmem>>, vector<512x1xi32>
    tpu.vector_store %arg2[%swap3A_86, %swap3A_87], %broadcast_in_dim3A_85 {strides = array<i32>} : memref<2048x1xi32, #tpu.memory_space<vmem>>, vector<512x1xi32>,
    return
  }
}

module attributes {stable_mosaic.version = 14 : i64} {
  func.func @_recheck_kernel(%arg0: memref<512x256xf32, #tpu.memory_space<vmem>>, %arg1: memref<2048x256xf32, #tpu.memory_space<vmem>>, %arg2: memref<2048x1xi32, #tpu.memory_space<vmem>>, %arg3: memref<512x1xi32, #tpu.memory_space<vmem>>, %arg4: memref<512x256xf32, #tpu.memory_space<vmem>>, %arg5: memref<512x256xf32, #tpu.memory_space<vmem>>) attributes {dimension_semantics = [], scalar_prefetch = 0 : i64, scratch_operands = 0 : i64, tpu.core_type = #tpu.core_type<tc>} {
    %get3A = arith.constant 0 : index
    %get3A_0 = arith.constant 0 : index
    %get3A_1 = vector.load %arg0[%get3A, %get3A_0] : memref<512x256xf32, #tpu.memory_space<vmem>>, vector<512x256xf32>
    %get3A_2 = arith.constant 0 : index
    %get3A_3 = arith.constant 0 : index
    %get3A_4 = vector.load %arg1[%get3A_2, %get3A_3] : memref<2048x256xf32, #tpu.memory_space<vmem>>, vector<2048x256xf32>
    %transpose3A = tpu.transpose %get3A_4, [1, 0] : vector<2048x256xf32> -> vector<256x2048xf32>
    %transpose3A_5 = tpu.transpose %get3A_1, [1, 0] : vector<512x256xf32> -> vector<256x512xf32>
    %concatenate3A = tpu.concatenate %transpose3A_5, %transpose3A_5, %transpose3A_5, %transpose3A_5 in 1 : vector<256x512xf32>, vector<256x512xf32>, vector<256x512xf32>, vector<256x512xf32> -> vector<256x2048xf32>
    %sub3A = arith.subf %concatenate3A, %transpose3A : vector<256x2048xf32>
    %mul3A = arith.mulf %sub3A, %sub3A : vector<256x2048xf32>
    %slice3A = vector.extract_strided_slice %mul3A {offsets = [0, 0], sizes = [8, 2048], strides = [1, 1]} : vector<256x2048xf32> to vector<8x2048xf32>
    %slice3A_6 = vector.extract_strided_slice %mul3A {offsets = [8, 0], sizes = [8, 2048], strides = [1, 1]} : vector<256x2048xf32> to vector<8x2048xf32>
    %add3A = arith.addf %slice3A, %slice3A_6 : vector<8x2048xf32>
    %slice3A_7 = vector.extract_strided_slice %mul3A {offsets = [16, 0], sizes = [8, 2048], strides = [1, 1]} : vector<256x2048xf32> to vector<8x2048xf32>
    %add3A_8 = arith.addf %add3A, %slice3A_7 : vector<8x2048xf32>
    %slice3A_9 = vector.extract_strided_slice %mul3A {offsets = [24, 0], sizes = [8, 2048], strides = [1, 1]} : vector<256x2048xf32> to vector<8x2048xf32>
    %add3A_10 = arith.addf %add3A_8, %slice3A_9 : vector<8x2048xf32>
    %slice3A_11 = vector.extract_strided_slice %mul3A {offsets = [32, 0], sizes = [8, 2048], strides = [1, 1]} : vector<256x2048xf32> to vector<8x2048xf32>
    %add3A_12 = arith.addf %add3A_10, %slice3A_11 : vector<8x2048xf32>
    %slice3A_13 = vector.extract_strided_slice %mul3A {offsets = [40, 0], sizes = [8, 2048], strides = [1, 1]} : vector<256x2048xf32> to vector<8x2048xf32>
    %add3A_14 = arith.addf %add3A_12, %slice3A_13 : vector<8x2048xf32>
    %slice3A_15 = vector.extract_strided_slice %mul3A {offsets = [48, 0], sizes = [8, 2048], strides = [1, 1]} : vector<256x2048xf32> to vector<8x2048xf32>
    %add3A_16 = arith.addf %add3A_14, %slice3A_15 : vector<8x2048xf32>
    %slice3A_17 = vector.extract_strided_slice %mul3A {offsets = [56, 0], sizes = [8, 2048], strides = [1, 1]} : vector<256x2048xf32> to vector<8x2048xf32>
    %add3A_18 = arith.addf %add3A_16, %slice3A_17 : vector<8x2048xf32>
    %slice3A_19 = vector.extract_strided_slice %mul3A {offsets = [64, 0], sizes = [8, 2048], strides = [1, 1]} : vector<256x2048xf32> to vector<8x2048xf32>
    %add3A_20 = arith.addf %add3A_18, %slice3A_19 : vector<8x2048xf32>
    %slice3A_21 = vector.extract_strided_slice %mul3A {offsets = [72, 0], sizes = [8, 2048], strides = [1, 1]} : vector<256x2048xf32> to vector<8x2048xf32>
    %add3A_22 = arith.addf %add3A_20, %slice3A_21 : vector<8x2048xf32>
    %slice3A_23 = vector.extract_strided_slice %mul3A {offsets = [80, 0], sizes = [8, 2048], strides = [1, 1]} : vector<256x2048xf32> to vector<8x2048xf32>
    %add3A_24 = arith.addf %add3A_22, %slice3A_23 : vector<8x2048xf32>
    %slice3A_25 = vector.extract_strided_slice %mul3A {offsets = [88, 0], sizes = [8, 2048], strides = [1, 1]} : vector<256x2048xf32> to vector<8x2048xf32>
    %add3A_26 = arith.addf %add3A_24, %slice3A_25 : vector<8x2048xf32>
    %slice3A_27 = vector.extract_strided_slice %mul3A {offsets = [96, 0], sizes = [8, 2048], strides = [1, 1]} : vector<256x2048xf32> to vector<8x2048xf32>
    %add3A_28 = arith.addf %add3A_26, %slice3A_27 : vector<8x2048xf32>
    %slice3A_29 = vector.extract_strided_slice %mul3A {offsets = [104, 0], sizes = [8, 2048], strides = [1, 1]} : vector<256x2048xf32> to vector<8x2048xf32>
    %add3A_30 = arith.addf %add3A_28, %slice3A_29 : vector<8x2048xf32>
    %slice3A_31 = vector.extract_strided_slice %mul3A {offsets = [112, 0], sizes = [8, 2048], strides = [1, 1]} : vector<256x2048xf32> to vector<8x2048xf32>
    %add3A_32 = arith.addf %add3A_30, %slice3A_31 : vector<8x2048xf32>
    %slice3A_33 = vector.extract_strided_slice %mul3A {offsets = [120, 0], sizes = [8, 2048], strides = [1, 1]} : vector<256x2048xf32> to vector<8x2048xf32>
    %add3A_34 = arith.addf %add3A_32, %slice3A_33 : vector<8x2048xf32>
    %slice3A_35 = vector.extract_strided_slice %add3A_34 {offsets = [0, 0], sizes = [1, 2048], strides = [1, 1]} : vector<8x2048xf32> to vector<1x2048xf32>
    %slice3A_36 = vector.extract_strided_slice %add3A_34 {offsets = [4, 0], sizes = [1, 2048], strides = [1, 1]} : vector<8x2048xf32> to vector<1x2048xf32>
    %add3A_37 = arith.addf %slice3A_35, %slice3A_36 : vector<1x2048xf32>
    %slice3A_38 = vector.extract_strided_slice %add3A_34 {offsets = [2, 0], sizes = [1, 2048], strides = [1, 1]} : vector<8x2048xf32> to vector<1x2048xf32>
    %slice3A_39 = vector.extract_strided_slice %add3A_34 {offsets = [6, 0], sizes = [1, 2048], strides = [1, 1]} : vector<8x2048xf32> to vector<1x2048xf32>
    %add3A_40 = arith.addf %slice3A_38, %slice3A_39 : vector<1x2048xf32>
    %add3A_41 = arith.addf %add3A_37, %add3A_40 : vector<1x2048xf32>
    %slice3A_42 = vector.extract_strided_slice %add3A_34 {offsets = [1, 0], sizes = [1, 2048], strides = [1, 1]} : vector<8x2048xf32> to vector<1x2048xf32>
    %slice3A_43 = vector.extract_strided_slice %add3A_34 {offsets = [5, 0], sizes = [1, 2048], strides = [1, 1]} : vector<8x2048xf32> to vector<1x2048xf32>
    %add3A_44 = arith.addf %slice3A_42, %slice3A_43 : vector<1x2048xf32>
    %slice3A_45 = vector.extract_strided_slice %add3A_34 {offsets = [3, 0], sizes = [1, 2048], strides = [1, 1]} : vector<8x2048xf32> to vector<1x2048xf32>
    %slice3A_46 = vector.extract_strided_slice %add3A_34 {offsets = [7, 0], sizes = [1, 2048], strides = [1, 1]} : vector<8x2048xf32> to vector<1x2048xf32>
    %add3A_47 = arith.addf %slice3A_45, %slice3A_46 : vector<1x2048xf32>
    %add3A_48 = arith.addf %add3A_44, %add3A_47 : vector<1x2048xf32>
    %add3A_49 = arith.addf %add3A_41, %add3A_48 : vector<1x2048xf32>
    %slice3A_50 = vector.extract_strided_slice %mul3A {offsets = [128, 0], sizes = [8, 2048], strides = [1, 1]} : vector<256x2048xf32> to vector<8x2048xf32>
    %slice3A_51 = vector.extract_strided_slice %mul3A {offsets = [136, 0], sizes = [8, 2048], strides = [1, 1]} : vector<256x2048xf32> to vector<8x2048xf32>
    %add3A_52 = arith.addf %slice3A_50, %slice3A_51 : vector<8x2048xf32>
    %slice3A_53 = vector.extract_strided_slice %mul3A {offsets = [144, 0], sizes = [8, 2048], strides = [1, 1]} : vector<256x2048xf32> to vector<8x2048xf32>
    %add3A_54 = arith.addf %add3A_52, %slice3A_53 : vector<8x2048xf32>
    %slice3A_55 = vector.extract_strided_slice %mul3A {offsets = [152, 0], sizes = [8, 2048], strides = [1, 1]} : vector<256x2048xf32> to vector<8x2048xf32>
    %add3A_56 = arith.addf %add3A_54, %slice3A_55 : vector<8x2048xf32>
    %slice3A_57 = vector.extract_strided_slice %mul3A {offsets = [160, 0], sizes = [8, 2048], strides = [1, 1]} : vector<256x2048xf32> to vector<8x2048xf32>
    %add3A_58 = arith.addf %add3A_56, %slice3A_57 : vector<8x2048xf32>
    %slice3A_59 = vector.extract_strided_slice %mul3A {offsets = [168, 0], sizes = [8, 2048], strides = [1, 1]} : vector<256x2048xf32> to vector<8x2048xf32>
    %add3A_60 = arith.addf %add3A_58, %slice3A_59 : vector<8x2048xf32>
    %slice3A_61 = vector.extract_strided_slice %mul3A {offsets = [176, 0], sizes = [8, 2048], strides = [1, 1]} : vector<256x2048xf32> to vector<8x2048xf32>
    %add3A_62 = arith.addf %add3A_60, %slice3A_61 : vector<8x2048xf32>
    %slice3A_63 = vector.extract_strided_slice %mul3A {offsets = [184, 0], sizes = [8, 2048], strides = [1, 1]} : vector<256x2048xf32> to vector<8x2048xf32>
    %add3A_64 = arith.addf %add3A_62, %slice3A_63 : vector<8x2048xf32>
    %slice3A_65 = vector.extract_strided_slice %mul3A {offsets = [192, 0], sizes = [8, 2048], strides = [1, 1]} : vector<256x2048xf32> to vector<8x2048xf32>
    %add3A_66 = arith.addf %add3A_64, %slice3A_65 : vector<8x2048xf32>
    %slice3A_67 = vector.extract_strided_slice %mul3A {offsets = [200, 0], sizes = [8, 2048], strides = [1, 1]} : vector<256x2048xf32> to vector<8x2048xf32>
    %add3A_68 = arith.addf %add3A_66, %slice3A_67 : vector<8x2048xf32>
    %slice3A_69 = vector.extract_strided_slice %mul3A {offsets = [208, 0], sizes = [8, 2048], strides = [1, 1]} : vector<256x2048xf32> to vector<8x2048xf32>
    %add3A_70 = arith.addf %add3A_68, %slice3A_69 : vector<8x2048xf32>
    %slice3A_71 = vector.extract_strided_slice %mul3A {offsets = [216, 0], sizes = [8, 2048], strides = [1, 1]} : vector<256x2048xf32> to vector<8x2048xf32>
    %add3A_72 = arith.addf %add3A_70, %slice3A_71 : vector<8x2048xf32>
    %slice3A_73 = vector.extract_strided_slice %mul3A {offsets = [224, 0], sizes = [8, 2048], strides = [1, 1]} : vector<256x2048xf32> to vector<8x2048xf32>
    %add3A_74 = arith.addf %add3A_72, %slice3A_73 : vector<8x2048xf32>
    %slice3A_75 = vector.extract_strided_slice %mul3A {offsets = [232, 0], sizes = [8, 2048], strides = [1, 1]} : vector<256x2048xf32> to vector<8x2048xf32>
    %add3A_76 = arith.addf %add3A_74, %slice3A_75 : vector<8x2048xf32>
    %slice3A_77 = vector.extract_strided_slice %mul3A {offsets = [240, 0], sizes = [8, 2048], strides = [1, 1]} : vector<256x2048xf32> to vector<8x2048xf32>
    %add3A_78 = arith.addf %add3A_76, %slice3A_77 : vector<8x2048xf32>
    %slice3A_79 = vector.extract_strided_slice %mul3A {offsets = [248, 0], sizes = [8, 2048], strides = [1, 1]} : vector<256x2048xf32> to vector<8x2048xf32>
    %add3A_80 = arith.addf %add3A_78, %slice3A_79 : vector<8x2048xf32>
    %slice3A_81 = vector.extract_strided_slice %add3A_80 {offsets = [0, 0], sizes = [1, 2048], strides = [1, 1]} : vector<8x2048xf32> to vector<1x2048xf32>
    %slice3A_82 = vector.extract_strided_slice %add3A_80 {offsets = [4, 0], sizes = [1, 2048], strides = [1, 1]} : vector<8x2048xf32> to vector<1x2048xf32>
    %add3A_83 = arith.addf %slice3A_81, %slice3A_82 : vector<1x2048xf32>
    %slice3A_84 = vector.extract_strided_slice %add3A_80 {offsets = [2, 0], sizes = [1, 2048], strides = [1, 1]} : vector<8x2048xf32> to vector<1x2048xf32>
    %slice3A_85 = vector.extract_strided_slice %add3A_80 {offsets = [6, 0], sizes = [1, 2048], strides = [1, 1]} : vector<8x2048xf32> to vector<1x2048xf32>
    %add3A_86 = arith.addf %slice3A_84, %slice3A_85 : vector<1x2048xf32>
    %add3A_87 = arith.addf %add3A_83, %add3A_86 : vector<1x2048xf32>
    %slice3A_88 = vector.extract_strided_slice %add3A_80 {offsets = [1, 0], sizes = [1, 2048], strides = [1, 1]} : vector<8x2048xf32> to vector<1x2048xf32>
    %slice3A_89 = vector.extract_strided_slice %add3A_80 {offsets = [5, 0], sizes = [1, 2048], strides = [1, 1]} : vector<8x2048xf32> to vector<1x2048xf32>
    %add3A_90 = arith.addf %slice3A_88, %slice3A_89 : vector<1x2048xf32>
    %slice3A_91 = vector.extract_strided_slice %add3A_80 {offsets = [3, 0], sizes = [1, 2048], strides = [1, 1]} : vector<8x2048xf32> to vector<1x2048xf32>
    %slice3A_92 = vector.extract_strided_slice %add3A_80 {offsets = [7, 0], sizes = [1, 2048], strides = [1, 1]} : vector<8x2048xf32> to vector<1x2048xf32>
    %add3A_93 = arith.addf %slice3A_91, %slice3A_92 : vector<1x2048xf32>
    %add3A_94 = arith.addf %add3A_90, %add3A_93 : vector<1x2048xf32>
    %add3A_95 = arith.addf %add3A_87, %add3A_94 : vector<1x2048xf32>
    %add3A_96 = arith.addf %add3A_49, %add3A_95 : vector<1x2048xf32>
    %slice3A_97 = vector.extract_strided_slice %add3A_96 {offsets = [0, 0], sizes = [1, 512], strides = [1, 1]} : vector<1x2048xf32> to vector<1x512xf32>
    %get3A_98 = arith.constant 0 : index
    %get3A_99 = arith.constant 0 : index
    %get3A_100 = vector.load %arg2[%get3A_98, %get3A_99] : memref<2048x1xi32, #tpu.memory_space<vmem>>, vector<512x1xi32>
    %transpose3A_101 = tpu.transpose %get3A_100, [1, 0] : vector<512x1xi32> -> vector<1x512xi32>
    %slice3A_102 = vector.extract_strided_slice %transpose3A {offsets = [0, 0], sizes = [256, 512], strides = [1, 1]} : vector<256x2048xf32> to vector<256x512xf32>
    %slice3A_103 = vector.extract_strided_slice %add3A_96 {offsets = [0, 512], sizes = [1, 512], strides = [1, 1]} : vector<1x2048xf32> to vector<1x512xf32>
    %get3A_104 = arith.constant 512 : index
    %get3A_105 = arith.constant 0 : index
    %get3A_106 = vector.load %arg2[%get3A_104, %get3A_105] : memref<2048x1xi32, #tpu.memory_space<vmem>>, vector<512x1xi32>
    %transpose3A_107 = tpu.transpose %get3A_106, [1, 0] : vector<512x1xi32> -> vector<1x512xi32>
    %lt3A = arith.cmpf olt, %slice3A_103, %slice3A_97 : vector<1x512xf32>
    %eq3A = arith.cmpf oeq, %slice3A_103, %slice3A_97 : vector<1x512xf32>
    %lt3A_108 = arith.cmpi slt, %transpose3A_107, %transpose3A_101 : vector<1x512xi32>
    %and3A = arith.andi %eq3A, %lt3A_108 : vector<1x512xi1>
    %or3A = arith.ori %lt3A, %and3A : vector<1x512xi1>
    %select_n3A = arith.select %or3A, %slice3A_103, %slice3A_97 : vector<1x512xi1>, vector<1x512xf32>
    %select_n3A_109 = arith.select %or3A, %transpose3A_107, %transpose3A_101 : vector<1x512xi1>, vector<1x512xi32>
    %slice3A_110 = vector.extract_strided_slice %transpose3A {offsets = [0, 512], sizes = [256, 512], strides = [1, 1]} : vector<256x2048xf32> to vector<256x512xf32>
    %broadcast_in_dim3A = vector.shape_cast %or3A : vector<1x512xi1> to vector<1x512xi1>
    %broadcast_in_dim3A_111 = vector.broadcast %broadcast_in_dim3A : vector<1x512xi1> to vector<256x512xi1>
    %select_n3A_112 = arith.select %broadcast_in_dim3A_111, %slice3A_110, %slice3A_102 : vector<256x512xi1>, vector<256x512xf32>
    %slice3A_113 = vector.extract_strided_slice %add3A_96 {offsets = [0, 1024], sizes = [1, 512], strides = [1, 1]} : vector<1x2048xf32> to vector<1x512xf32>
    %get3A_114 = arith.constant 1024 : index
    %get3A_115 = arith.constant 0 : index
    %get3A_116 = vector.load %arg2[%get3A_114, %get3A_115] : memref<2048x1xi32, #tpu.memory_space<vmem>>, vector<512x1xi32>
    %transpose3A_117 = tpu.transpose %get3A_116, [1, 0] : vector<512x1xi32> -> vector<1x512xi32>
    %lt3A_118 = arith.cmpf olt, %slice3A_113, %select_n3A : vector<1x512xf32>
    %eq3A_119 = arith.cmpf oeq, %slice3A_113, %select_n3A : vector<1x512xf32>
    %lt3A_120 = arith.cmpi slt, %transpose3A_117, %select_n3A_109 : vector<1x512xi32>
    %and3A_121 = arith.andi %eq3A_119, %lt3A_120 : vector<1x512xi1>
    %or3A_122 = arith.ori %lt3A_118, %and3A_121 : vector<1x512xi1>
    %select_n3A_123 = arith.select %or3A_122, %slice3A_113, %select_n3A : vector<1x512xi1>, vector<1x512xf32>
    %select_n3A_124 = arith.select %or3A_122, %transpose3A_117, %select_n3A_109 : vector<1x512xi1>, vector<1x512xi32>
    %slice3A_125 = vector.extract_strided_slice %transpose3A {offsets = [0, 1024], sizes = [256, 512], strides = [1, 1]} : vector<256x2048xf32> to vector<256x512xf32>
    %broadcast_in_dim3A_126 = vector.shape_cast %or3A_122 : vector<1x512xi1> to vector<1x512xi1>
    %broadcast_in_dim3A_127 = vector.broadcast %broadcast_in_dim3A_126 : vector<1x512xi1> to vector<256x512xi1>
    %select_n3A_128 = arith.select %broadcast_in_dim3A_127, %slice3A_125, %select_n3A_112 : vector<256x512xi1>, vector<256x512xf32>
    %slice3A_129 = vector.extract_strided_slice %add3A_96 {offsets = [0, 1536], sizes = [1, 512], strides = [1, 1]} : vector<1x2048xf32> to vector<1x512xf32>
    %get3A_130 = arith.constant 1536 : index
    %get3A_131 = arith.constant 0 : index
    %get3A_132 = vector.load %arg2[%get3A_130, %get3A_131] : memref<2048x1xi32, #tpu.memory_space<vmem>>, vector<512x1xi32>
    %transpose3A_133 = tpu.transpose %get3A_132, [1, 0] : vector<512x1xi32> -> vector<1x512xi32>
    %lt3A_134 = arith.cmpf olt, %slice3A_129, %select_n3A_123 : vector<1x512xf32>
    %eq3A_135 = arith.cmpf oeq, %slice3A_129, %select_n3A_123 : vector<1x512xf32>
    %lt3A_136 = arith.cmpi slt, %transpose3A_133, %select_n3A_124 : vector<1x512xi32>
    %and3A_137 = arith.andi %eq3A_135, %lt3A_136 : vector<1x512xi1>
    %or3A_138 = arith.ori %lt3A_134, %and3A_137 : vector<1x512xi1>
    %select_n3A_139 = arith.select %or3A_138, %transpose3A_133, %select_n3A_124 : vector<1x512xi1>, vector<1x512xi32>
    %slice3A_140 = vector.extract_strided_slice %transpose3A {offsets = [0, 1536], sizes = [256, 512], strides = [1, 1]} : vector<256x2048xf32> to vector<256x512xf32>
    %broadcast_in_dim3A_141 = vector.shape_cast %or3A_138 : vector<1x512xi1> to vector<1x512xi1>
    %broadcast_in_dim3A_142 = vector.broadcast %broadcast_in_dim3A_141 : vector<1x512xi1> to vector<256x512xi1>
    %select_n3A_143 = arith.select %broadcast_in_dim3A_142, %slice3A_140, %select_n3A_128 : vector<256x512xi1>, vector<256x512xf32>
    %transpose3A_144 = tpu.transpose %select_n3A_139, [1, 0] : vector<1x512xi32> -> vector<512x1xi32>
    %swap3A = arith.constant 0 : index
    %swap3A_145 = arith.constant 0 : index
    %swap3A_146 = vector.load %arg3[%swap3A, %swap3A_145] : memref<512x1xi32, #tpu.memory_space<vmem>>, vector<512x1xi32>
    tpu.vector_store %arg3[%swap3A, %swap3A_145], %transpose3A_144 {strides = array<i32>} : memref<512x1xi32, #tpu.memory_space<vmem>>, vector<512x1xi32>,
    %transpose3A_147 = tpu.transpose %select_n3A_143, [1, 0] : vector<256x512xf32> -> vector<512x256xf32>
    %swap3A_148 = arith.constant 0 : index
    %swap3A_149 = arith.constant 0 : index
    %swap3A_150 = vector.load %arg4[%swap3A_148, %swap3A_149] : memref<512x256xf32, #tpu.memory_space<vmem>>, vector<512x256xf32>
    tpu.vector_store %arg4[%swap3A_148, %swap3A_149], %transpose3A_147 {strides = array<i32>} : memref<512x256xf32, #tpu.memory_space<vmem>>, vector<512x256xf32>,
    %sub3A_151 = arith.subf %transpose3A_147, %get3A_1 : vector<512x256xf32>
    %add3A_152 = arith.addf %get3A_1, %sub3A_151 : vector<512x256xf32>
    %swap3A_153 = arith.constant 0 : index
    %swap3A_154 = arith.constant 0 : index
    %swap3A_155 = vector.load %arg5[%swap3A_153, %swap3A_154] : memref<512x256xf32, #tpu.memory_space<vmem>>, vector<512x256xf32>
    tpu.vector_store %arg5[%swap3A_153, %swap3A_154], %add3A_152 {strides = array<i32>} : memref<512x256xf32, #tpu.memory_space<vmem>>, vector<512x256xf32>,
    return
  }
}

</mosaic_0001>

<sc_bundles>
// kernel: kernel.5.cloned.1.call-start
scs
__scs_entry_jumppad:
0x0: {  	(pc) =	sbr.rel $0x88, $3  }
0x1: {  	(tag) =	ssettag $0x0;
	lr =	simm.s32 $0x1  }
0x2: {  	[smem:$0x3F9F] =	sst lr;
	_ =	strace $0xD0000000  }
0x3: {  	_ = 	snop  }
0x4: {  	_ = 	snop  }
0x5: {  	_ = 	snop  }
0x6: {  	_ = 	snop  }
0x7: {  	_ = 	snop  }
__scs_overlays_trampoline_lowered:
0x8: {  	[smem:$0x3FAE] =	sst s0  }
0x9: {  	[smem:$0x3FAF] =	sst s1  }
0xa: {  	[smem:$0x3FB0] =	sst s2  }
0xb: {  	[smem:$0x3FB1] =	sst s3  }
0xc: {  	[smem:$0x3FB2] =	sst s4  }
0xd: {  	[smem:$0x3FB3] =	sst s5  }
0xe: {  	[smem:$0x3FB4] =	sst s6  }
0xf: {  	[smem:$0x3FB5] =	sst s7  }
0x10: {  	[smem:$0x3FB6] =	sst s8  }
0x11: {  	[smem:$0x3FB7] =	sst s9;
	s0 =	simm.s32 @!p0 $0x0  }
0x12: {  	s1 =	sld [smem:$0x3F9D];
	s0 =	simm.s32 @p0 $0x1  }
0x13: {  	[smem:$0x3FB8] =	sst s0;
	s0 =	simm.s32 @!p1 $0x0  }
0x14: {  	s2 =	sld [smem:$0x3F9C];
	s0 =	simm.s32 @p1 $0x1  }
0x15: {  	[smem:$0x3FB9] =	sst s0;
	s0 =	simm.s32 @!p2 $0x0  }
0x16: {  	s3 =	sld [smem:$0x3FDB];
	s0 =	simm.s32 @p2 $0x1  }
0x17: {  	s4 =	simm.s32 $0x1BF5;
	[smem:$0x3FBB] =	sst s0  }
0x18: {  	s0 =	sld [smem:$0x3F9E];
	_ =	swait.ge [sflag:s4], $0x0  }
0x19: {  	s7 =	sld [smem:$0x3F9F]  }
0x1a: {  	s8 =	sadd.s32 $0xFFFFE003, lr  }
0x1b: {  	s9 =	sadd.s32 $0xFFFFFEF7, lr;
	s5 =	simm.s32 $0xFFFFFFFF;
	p2 =	slt.u32 s8, $0xFFFFF086  }
0x1c: {  	p1 =	slt.u32 s9, $0xF7A;
	s5 =	simm.s32 @!p2 $0x0  }
0x1d: {  	s5 =	simm.s32 @p1 $0x1;
	p0 =	seq.s32 s7, s2  }
0x1e: {  	s7 =	smul.u32 @!p0 $0xF7A, s2;
	p2 =	seq.s32 @!p0 s5, $0x0  }
0x1f: {  	s9 =	smul.u32 $0xF7A, s1;
	s8 =	simm.s32 @!p0 $0x1BF5;
	p2 =	por !p2, p0  }
0x20: {  	[sflag:s8] =	ssyncset.s32 @!p0 $0xFFFFF086;
	s6 =	sadd.s32 @!p0 s3, s7;
	s7 =	simm.s32 @!p0 $0x108  }
0x21: {  	s3 =	sadd.s32 s3, s9;
	s6 =	sadd.s32 @!p0 $0x88, s6;
	s7 =	simm.s32 @p2 $0x1082  }
0x22: {  	[simem:s7], [sflag:s8] =	dma.local @!p0 [hbm:s6], $0xF7A  }
0x23: {  	s9 =	sor.u32 $0xD0000000, s2;
	s6 =	simm.s32 $0x108;
	_ =	swait.ge @!p0 [sflag:s8], $0x0  }
0x24: {  	s3 =	sadd.s32 $0x88, s3;
	s6 =	simm.s32 @!p1 $0x1082;
	[sflag:s4] =	ssyncset.s32 $0xFFFFF086  }
0x25: {  	[simem:s6], [sflag:s4] =	dma.local [hbm:s3], $0xF7A  }
0x26: {  	[smem:$0x3F9F] =	sst s1;
	(tag) =	ssettag s2;
	_ =	strace s9  }
0x27: {  	s1 =	sld [smem:$0x3FAF]  }
0x28: {  	s2 =	sld [smem:$0x3FB0]  }
0x29: {  	s4 =	sld [smem:$0x3FB2]  }
0x2a: {  	p0 =	seq.s32 s5, $0x0;
	s5 =	sld [smem:$0x3FB3]  }
0x2b: {  	s6 =	sld [smem:$0x3FB4]  }
0x2c: {  	s7 =	sld [smem:$0x3FB5]  }
0x2d: {  	s3 =	simm.s32 $0x108;
	s8 =	sld [smem:$0x3FB6]  }
0x2e: {  	s3 =	simm.s32 @!p0 $0x1082;
	s9 =	sld [smem:$0x3FB7]  }
0x2f: {  	lr =	sadd.s32 s0, s3;
	s0 =	sld [smem:$0x3FAE]  }
0x30: {  	s3 =	sld [smem:$0x3FB1]  }
0x31: {  	[smem:$0x3FBA] =	sst s10  }
0x32: {  	s10 =	sld [smem:$0x3FB8];
	_ =	sdelay $0x3  }
0x33: {  	p0 =	seq.s32 s10, $0x1;
	s10 =	sld [smem:$0x3FBA];
	_ =	sdelay $0x3  }
0x34: {  	[smem:$0x3FBA] =	sst s10  }
0x35: {  	s10 =	sld [smem:$0x3FB9];
	_ =	sdelay $0x3  }
0x36: {  	p1 =	seq.s32 s10, $0x1;
	s10 =	sld [smem:$0x3FBA];
	_ =	sdelay $0x3  }
0x37: {  	[smem:$0x3FBA] =	sst s10  }
0x38: {  	s10 =	sld [smem:$0x3FBB]  }
0x39: {  	_ = 	snop;
	(pc) =	sbr.ind lr, $3  }
0x3a: {  	_ = 	snop  }
0x3b: {  	_ = 	snop  }
0x3c: {  	p2 =	seq.s32 s10, $0x1;
	s10 =	sld [smem:$0x3FBA]  }
0x3d: {  	_ =	shalt  }
0x3e: {  	_ =	shalt  }
0x3f: {  	_ =	shalt  }
0x40: {  	_ =	shalt  }
0x41: {  	_ =	shalt  }
0x42: {  	_ =	shalt  }
0x43: {  	_ =	shalt  }
0x44: {  	_ =	shalt  }
0x45: {  	_ =	shalt  }
0x46: {  	_ =	shalt  }
0x47: {  	_ =	shalt  }
0x48: {  	_ =	shalt  }
0x49: {  	_ =	shalt  }
0x4a: {  	_ =	shalt  }
0x4b: {  	_ =	shalt  }
0x4c: {  	_ =	shalt  }
0x4d: {  	_ =	shalt  }
0x4e: {  	_ =	shalt  }
0x4f: {  	_ =	shalt  }
0x50: {  	_ =	shalt  }
0x51: {  	_ =	shalt  }
0x52: {  	_ =	shalt  }
0x53: {  	_ =	shalt  }
0x54: {  	_ =	shalt  }
0x55: {  	_ =	shalt  }
0x56: {  	_ =	shalt  }
0x57: {  	_ =	shalt  }
0x58: {  	_ =	shalt  }
0x59: {  	_ =	shalt  }
0x5a: {  	_ =	shalt  }
0x5b: {  	_ =	shalt  }
0x5c: {  	_ =	shalt  }
0x5d: {  	_ =	shalt  }
0x5e: {  	_ =	shalt  }
0x5f: {  	_ =	shalt  }
0x60: {  	_ =	shalt  }
0x61: {  	_ =	shalt  }
0x62: {  	_ =	shalt  }
0x63: {  	_ =	shalt  }
0x64: {  	_ =	shalt  }
0x65: {  	_ =	shalt  }
0x66: {  	_ =	shalt  }
0x67: {  	_ =	shalt  }
0x68: {  	_ =	shalt  }
0x69: {  	_ =	shalt  }
0x6a: {  	_ =	shalt  }
0x6b: {  	_ =	shalt  }
0x6c: {  	_ =	shalt  }
0x6d: {  	_ =	shalt  }
0x6e: {  	_ =	shalt  }
0x6f: {  	_ =	shalt  }
0x70: {  	_ =	shalt  }
0x71: {  	_ =	shalt  }
0x72: {  	_ =	shalt  }
0x73: {  	_ =	shalt  }
0x74: {  	_ =	shalt  }
0x75: {  	_ =	shalt  }
0x76: {  	_ =	shalt  }
0x77: {  	_ =	shalt  }
0x78: {  	_ =	shalt  }
0x79: {  	_ =	shalt  }
0x7a: {  	_ =	shalt  }
0x7b: {  	_ =	shalt  }
0x7c: {  	_ =	shalt  }
0x7d: {  	_ =	shalt  }
0x7e: {  	_ =	shalt  }
0x7f: {  	_ =	shalt  }
0x80: {  	_ =	shalt  }
0x81: {  	_ =	shalt  }
0x82: {  	_ =	shalt  }
0x83: {  	_ =	shalt  }
0x84: {  	_ =	shalt  }
0x85: {  	_ =	shalt  }
0x86: {  	_ =	shalt  }
0x87: {  	_ =	shalt  }
.Lfunc_end0:
.L_simem_size_0:
called_computation_lowered:
.L_overlay_start_0:
0x88: {  	s2 =	sld [smem:$0x3FD9]  }
0x89: {  	s3 =	sld [smem:$0x3FFE];
	_ =	sdelay $0x1  }
0x8a: {  	s1 =	srdreg.scid  }
0x8b: {  	s0 =	sand.u32 $0x1, s1  }
0x8c: {  	s14 =	sshll.u32 s0, $0xA;
	s2 =	sadd.s32 s3, s2  }
0x8d: {  	s2 =	sadd.s32 s2, s14  }
0x8e: {  	[smem:$0x3FC6] =	sst s2  }
0x8f: {  	_ = 	snop  }
0x90: {  	s2 =	sld [smem:$0x3FD0];
	_ =	sdelay $0x2  }
0x91: {  	s4 =	simm.s32 $0xA;
	s5 =	simm.s32 $0x10;
	s15 =	sld [smem:$0x3FC8]  }
0x92: {  	[smem:s5], [sflag:s4] =	dma.local [hbm:s2], $0x1  }
0x93: {  	_ =	swait.eq [sflag:s4], $0x1  }
0x94: {  	[sflag:s4] =	ssyncset.done $0x0  }
0x95: {  	[sflag:s4] =	ssyncadd.s32 $0xFFFFFFFF  }
0x96: {  	s16 =	sld [smem:$0x12];
	(tm) =	ssettm $0x1  }
0x97: {  	s17 =	sld [smem:$0x3FFB];
	_ =	sdelay $0x3  }
0x98: {  	_ =	strace s17  }
0x99: {  	s4 =	sld [smem:$0x3FFC];
	_ =	sdelay $0x3  }
0x9a: {  	_ =	strace s4  }
0x9b: {  	s4 =	sld [smem:$0x3FFD];
	_ =	sdelay $0x3  }
0x9c: {  	_ =	strace s4  }
0x9d: {  	_ =	strace $0x8FFFFFFF  }
0x9e: {  	s18 =	sld [smem:$0x3FDB];
	_ =	sdelay $0x1  }
0x9f: {  	s19 =	simm.s32 $_scs_section_size  }
0xa0: {  	s6 =	simm.s32 $_size__tile_overlayer_lowered;
	s7 =	simm.s32 $_tile_overlayer_lowered  }
0xa1: {  	s22 =	simm.s32 $0x1BFF;
	s21 =	sshll.u32 s7, $0x1;
	s4 =	sadd.s32 s19, s18  }
0xa2: {  	s8 =	simm.s32 $0x0;
	s20 =	sshll.u32 s6, $0x1;
	s6 =	sadd.s32 s21, s4  }
0xa3: {  	[timem:s8], [sflag:s22] =	dma.local [hbm:s6], s20  }
0xa4: {  	_ =	swait.ge [sflag:s22], s20  }
0xa5: {  	s5 =	ssub.s32 $0x0, s20;
	[sflag:s22] =	ssyncset.done $0x0  }
0xa6: {  	[sflag:s22] =	ssyncadd.s32 s5;
	_ =	sdelay $0x1  }
0xa7: {  	s23 =	simm.s32 $0x1B8B  }
0xa8: {  	_ =	swait.ge [sflag:s23], $0x1  }
0xa9: {  	[sflag:s23] =	ssyncset.done $0x0  }
0xaa: {  	s25 =	simm.s32 $0x1B8E;
	s24 =	sld [smem:$0x3FFE];
	[sflag:s23] =	ssyncadd.s32 $0xFFFFFFFF  }
0xab: {  	s26 =	simm.s32 $execute0_lowered;
	[smem:$0x3FD2] =	sst s25  }
0xac: {  	s6 =	sshll.u32 s26, $0x1;
	_ =	strace $0x80000046;
	[dreg:$0x1] =	wrdreg $0xFFFFFFFF  }
0xad: {  	s28 =	simm.s32 $_size_execute0_lowered;
	s4 =	sadd.s32 s4, s6;
	[dreg:$0x0] =	wrdreg $0x0  }
0xae: {  	s6 =	sshll.u32 s28, $0x1;
	[dreg:$0x2] =	wrdreg s4  }
0xaf: {  	[dreg:$0x3] =	wrdreg s6  }
0xb0: {  	[dreg:$0x4] =	wrdreg $0xC0  }
0xb1: {  	_ =	task [dreg:s8], $0x5FFFF  }
0xb2: {  	[dreg:$0x1] =	wrdreg $0xFFFFFFFF  }
0xb3: {  	[dreg:$0x0] =	wrdreg $0x60  }
0xb4: {  	[dreg:$0x2] =	wrdreg s15  }
0xb5: {  	[dreg:$0x3] =	wrdreg s16  }
0xb6: {  	[dreg:$0x4] =	wrdreg s24  }
0xb7: {  	[dreg:$0x5] =	wrdreg $0x9  }
0xb8: {  	_ =	task.clear_ibuf [dreg:s8], $0x6FFFF;
	_ =	strace $0x90000046  }
0xb9: {  	s29 =	simm.s32 $0x9;
	_ =	strace $0x80000048  }
0xba: {  	_ =	swait.ge [sflag:s29], $0x1  }
0xbb: {  	[sflag:s29] =	ssyncadd.s32 $0xFFFFFFFF  }
0xbc: {  	_ =	strace $0x90000048  }
0xbd: {  	_ =	sfence  }
0xbe: {  	s30 =	sld [smem:$0x0];
	_ =	sdelay $0x2  }
0xbf: {  	s31 =	sshll.u32 s1, $0xD;
	s1 =	sshrl.u32 s1, $0x2  }
0xc0: {  	s3 =	sand.u32 $0x4000, s31;
	s1 =	sadd.s32 s1, s30  }
0xc1: {  	s0 =	sor.u32 s3, s0;
	s1 =	sshll.u32 s1, $0x11  }
0xc2: {  	s0 =	sor.u32 s1, s0  }
0xc3: {  	s0 =	sadd.s32 $0x8F2B, s0  }
0xc4: {  	[sflag:s0] =	ssyncadd.remote.s32 $0x1  }
0xc5: {  	_ =	sfence.sel $0xFFFF  }
0xc6: {  	[dreg:$0x0] =	wrdreg $0xFFFFFFFF;
	(pc) =	sbr.abs _section_cstart, $3  }
0xc7: {  	[dreg:$0x1] =	wrdreg $0xFFFFFFFF  }
0xc8: {  	_ =	task.clear_ibuf [dreg:s8], $0x2FFFF;
	_ =	strace $0x9FFFFFFF  }
0xc9: {  	(tm) =	ssettm $0x7FFFFFFF  }
tec
execute0_lowered:
.L_overlay_start_1:
0x0: {  	(tag) =	ssettag $0x1  }
0x1: {  	s1 =	rddreg [dreg:$0x0]  }
0x2: {  	s4 =	rddreg [dreg:$0x1]  }
0x3: {  	s5 =	rddreg [dreg:$0x2]  }
0x4: {  	s0 =	rddreg [dreg:$0x3];
	s6 =	srdreg.scid  }
0x5: {  	s3 =	simm.s32 $0x0;
	s2 =	stileid.u32;
	s10 =	simm.s32 $0x1080  }
0x6: {  	s11 =	simm.s32 $0x1880;
	s12 =	simm.s32 $0x2080;
	s13 =	simm.s32 $0x2880  }
0x7: {  	s14 =	simm.s32 $0x3080;
	s15 =	simm.s32 $0x3880;
	s6 =	sand.u32 $0x1, s6  }
0x8: {  	s16 =	simm.s32 $0x1;
	s7 =	sshll.u32 s2, $0x7;
	s8 =	sshll.u32 s6, $0x6  }
0x9: {  	[smem:$0x7FF] =	sst s3;
	s6 =	ssub.s32 $0x2, s6;
	s7 =	sor.u32 s8, s7  }
0xa: {  	_ =	strace $0x80000047;
	s9 =	sshrl.u32 s6, $0x1;
	s8 =	sshll.u32 s7, $0x5  }
0xb: {  	v2 =	vlaneseq.u32;
	s7 =	sshrl.u32 s7, $0x3;
	s6 =	ssub.s32 s6, s9;
	s9 =	simm.s32 $0x880  }
0xc: {  	vm0 =	vmmov $0xffff;
	v1 =	vshrl.u32 v2, $0x3;
	s5 =	sadd.s32 s8, s5;
	s4 =	sadd.s32 s4, s7;
	s6 =	smax.u32 s6, $0x1  }
0xd: {  	v0 =	vand.u32 $0x7, v2;
	v2 =	vor.u32 $0x8, v2;
	v1 =	vmul.u32 $0x8, v1;
	s7 =	simm.s32 $0x2;
	s8 =	simm.s32 $0x80;
	s5 =	sadd.s32 $0x400, s5  }
.LBB2_1:
0xe: {  	[tilespmem:s3], [sflag:$0x2] =	stream.linear.gather [hbm4b:s4+s3], $0x40, $0x38;
	[tilespmem:$0x4080] =	vst v63  }
0xf: {  	_ =	swait.ge [sflag:s7], $0x40  }
0x10: {  	[sflag:s7] =	ssyncset.done $0x0  }
0x11: {  	[sflag:s7] =	ssyncadd.s32 $0xFFFFFFC0  }
0x12: {  	v3 =	vld [tilespmem:$0x0];
	_ =	sdelay $0x4  }
0x13: {  	v4 =	vshll.u32 v3, $0x1  }
0x14: {  	v3 =	vand.u32 $0x7, v3;
	v4 =	vand.u32 $0xFFFFFFF0, v4  }
0x15: {  	v3 =	vor.u32 v3, v4  }
0x16: {  	v4 =	vperm.xlane v3, v0;
	_ =	sdelay $0x1  }
0x17: {  	v3 =	vperm.xlane v3, v2;
	v4 =	vadd.s32 v1, v4;
	_ =	sdelay $0x1  }
0x18: {  	v3 =	vadd.s32 v1, v3;
	_ =	sdelay $0x2  }
0x19: {  	[tilespmem:s8], [sflag:$0x1] =	stream.indirect_vreg.gather [hbm4b:s1+s3], $0x80, v4, vm0, $0xb8;
	[tilespmem:$0x4080] =	vst v63  }
0x1a: {  	_ = 	snop  }
0x1b: {  	[tilespmem:s9], [sflag:$0x1] =	stream.indirect_vreg.gather [hbm4b:s1+s3], $0x80, v3, vm0, $0xb8;
	[tilespmem:$0x4080] =	vst v63  }
0x1c: {  	v3 =	vld [tilespmem:$0x10];
	_ =	sdelay $0x4  }
0x1d: {  	v61 =	vshll.u32 v3, $0x1  }
0x1e: {  	v3 =	vand.u32 $0x7, v3;
	v4 =	vand.u32 $0xFFFFFFF0, v61  }
0x1f: {  	v3 =	vor.u32 v3, v4  }
0x20: {  	v4 =	vperm.xlane v3, v0;
	_ =	sdelay $0x1  }
0x21: {  	v3 =	vperm.xlane v3, v2;
	v4 =	vadd.s32 v1, v4;
	_ =	sdelay $0x1  }
0x22: {  	v3 =	vadd.s32 v1, v3;
	_ =	sdelay $0x2  }
0x23: {  	[tilespmem:s10], [sflag:$0x1] =	stream.indirect_vreg.gather [hbm4b:s1+s3], $0x80, v4, vm0, $0xb8;
	[tilespmem:$0x4080] =	vst v63  }
0x24: {  	_ = 	snop  }
0x25: {  	[tilespmem:s11], [sflag:$0x1] =	stream.indirect_vreg.gather [hbm4b:s1+s3], $0x80, v3, vm0, $0xb8;
	[tilespmem:$0x4080] =	vst v63  }
0x26: {  	v3 =	vld [tilespmem:$0x20];
	_ =	sdelay $0x4  }
0x27: {  	v62 =	vshll.u32 v3, $0x1  }
0x28: {  	v3 =	vand.u32 $0x7, v3;
	v4 =	vand.u32 $0xFFFFFFF0, v62  }
0x29: {  	v3 =	vor.u32 v3, v4  }
0x2a: {  	v4 =	vperm.xlane v3, v0;
	_ =	sdelay $0x1  }
0x2b: {  	v3 =	vperm.xlane v3, v2;
	v4 =	vadd.s32 v1, v4;
	_ =	sdelay $0x1  }
0x2c: {  	v3 =	vadd.s32 v1, v3;
	_ =	sdelay $0x2  }
0x2d: {  	[tilespmem:s12], [sflag:$0x1] =	stream.indirect_vreg.gather [hbm4b:s1+s3], $0x80, v4, vm0, $0xb8;
	[tilespmem:$0x4080] =	vst v63  }
0x2e: {  	_ = 	snop  }
0x2f: {  	[tilespmem:s13], [sflag:$0x1] =	stream.indirect_vreg.gather [hbm4b:s1+s3], $0x80, v3, vm0, $0xb8;
	[tilespmem:$0x4080] =	vst v63  }
0x30: {  	v3 =	vld [tilespmem:$0x30];
	_ =	sdelay $0x4  }
0x31: {  	v63 =	vshll.u32 v3, $0x1  }
0x32: {  	v3 =	vand.u32 $0x7, v3;
	v4 =	vand.u32 $0xFFFFFFF0, v63  }
0x33: {  	v3 =	vor.u32 v3, v4  }
0x34: {  	v4 =	vperm.xlane v3, v0;
	_ =	sdelay $0x1  }
0x35: {  	v3 =	vperm.xlane v3, v2;
	v4 =	vadd.s32 v1, v4;
	_ =	sdelay $0x1  }
0x36: {  	v3 =	vadd.s32 v1, v3;
	_ =	sdelay $0x2  }
0x37: {  	[tilespmem:s14], [sflag:$0x1] =	stream.indirect_vreg.gather [hbm4b:s1+s3], $0x80, v4, vm0, $0xb8;
	[tilespmem:$0x4080] =	vst v63  }
0x38: {  	_ = 	snop  }
0x39: {  	[tilespmem:s15], [sflag:$0x1] =	stream.indirect_vreg.gather [hbm4b:s1+s3], $0x80, v3, vm0, $0xb8;
	[tilespmem:$0x4080] =	vst v63  }
0x3a: {  	_ =	swait.ge [sflag:s16], $0x4000  }
0x3b: {  	p0 =	sne.s32 s6, $0x1;
	[sflag:s16] =	ssyncset.done $0x0  }
.Ltmp0:
0x3c: {  	[sflag:s16] =	ssyncadd.s32 $0xFFFFC000;
	(pc) =	sbr.rel @p0 .LBB2_1-.Ltmp0, $4  }
0x3d: {  	[hbm4b:s5+s3] =	stream.linear.scatter [tilespmem:s8], [sflag:$0x2], $0x4000, $0x38;
	[tilespmem:$0x4080] =	vst v63  }
0x3e: {  	_ =	swait.ge [sflag:s7], $0x4000  }
0x3f: {  	[sflag:s7] =	ssyncset.done $0x0  }
0x40: {  	s6 =	sadd.s32 $0xFFFFFFFF, s6;
	[sflag:s7] =	ssyncadd.s32 $0xFFFFC000  }
0x41: {  	_ =	sfence.sel $0x180000  }
0x42: {  	[bflag:$0x0] =	sbarrier.arrive $0xFFFF  }
0x43: {  	p0 =	sne.s32 s2, $0x0;
	_ =	strace $0x90000047  }
0x44: {  	s0 =	sadd.s32 @!p0 $0x100000, s0;
	[bflag:$0x2] =	sbarrier.arrive $0xFFFF  }
0x45: {  	[sflag:s0] =	ssyncadd.tile.s32 @!p0 $0x1;
	_ =	shalt  }
.Lfunc_end2:
_tile_overlayer_lowered:
.L_overlay_start_2:
0x46: {  	(tag) =	ssettag $0x2  }
0x47: {  	s0 =	rddreg [dreg:$0x0];
	s2 =	stileid.u32  }
0x48: {  	s1 =	rddreg [dreg:$0x1];
	p0 =	sne.s32 s2, $0x0  }
0x49: {  	s3 =	rddreg [dreg:$0x2];
	[bflag:$0x3] =	sbarrier.arrive $0xFFFF;
	s2 =	simm.s32 @!p0 $0x1C02  }
0x4a: {  	[timem:s3], [sflag:s2] =	dma.local @!p0 [hbm:s0], s1  }
0x4b: {  	s0 =	simm.s32 @!p0 $0x2  }
0x4c: {  	_ =	swait.ge @!p0 [sflag:s0], s1  }
0x4d: {  	s1 =	ssub.s32 @!p0 $0x0, s1;
	[sflag:s0] =	ssyncset.done @!p0 $0x0  }
0x4e: {  	[sflag:s0] =	ssyncadd.s32 @!p0 s1  }
0x4f: {  	[bflag:$0x3] =	sbarrier.arrive $0xFFFF  }
0x50: {  	_ =	shalt  }

</sc_bundles>
